<compile_context>
chip_gen: v7x
topology: tpu7x:2x2x1
jax: 0.10.2.dev20260603
libtpu: 0.0.44.dev20260713+nightly
codegen_flags: <defaults>
</compile_context>

<pallas_src>
import functools

import jax
import jax.numpy as jnp
from jax import lax
from jax.experimental import pallas as pl
from jax.experimental.pallas import tpu as pltpu
from jax.experimental.pallas import tpu_sc as plsc

_info = plsc.get_sparse_core_info()
_NS, _L = _info.num_subcores, _info.num_lanes


def _make_sc_counts(B, C):
    per_sub = B // _NS
    n_cnt_chunks = per_sub // _L

    mesh = plsc.VectorSubcoreMesh(
        core_axis_name="c", subcore_axis_name="s", num_cores=1
    )

    @functools.partial(
        pl.kernel,
        mesh=mesh,
        out_type=jax.ShapeDtypeStruct((_L,), jnp.float32),
        scratch_types=[
            pltpu.VMEM((per_sub,), jnp.int32),
            pltpu.VMEM((_L,), jnp.float32),
            pltpu.VMEM((_NS * _L,), jnp.float32),
            pltpu.VMEM_SHARED((_NS * _L,), jnp.float32),
        ],
    )
    def sc_counts(ids_hbm, cnt_hbm, ids_v, cnt_v, all_v, shared):
        cid = lax.axis_index("c")
        sid = lax.axis_index("s")
        pltpu.sync_copy(ids_hbm.at[pl.ds(sid * per_sub, per_sub)], ids_v)

        zero = jnp.zeros((_L,), jnp.int32)
        lane = lax.iota(jnp.int32, _L)

        def lane_sum(x):
            for k in (1, 2, 4, 8):
                x = x + x.at[lane ^ k].get(mode="promise_in_bounds")
            return x

        cntvec = jnp.zeros((_L,), jnp.float32)
        if C == 4:
            def cbody(j, accs):
                a01, a10, a11 = accs
                v = ids_v[pl.ds(j * _L, _L)]
                b0 = v & 1
                b1 = v >> 1
                return (a01 + b0, a10 + b1, a11 + b0 * b1)

            a01, a10, a11 = lax.fori_loop(0, n_cnt_chunks, cbody, (zero,) * 3)
            s1 = lane_sum(a01)
            s2 = lane_sum(a10)
            s3 = lane_sum(a11)
            n = jnp.full((_L,), per_sub, jnp.int32)
            bins = (n - s1 - s2 + s3, s1 - s3, s2 - s3, s3)
            for c in range(4):
                cntvec = jnp.where(lane == c, bins[c].astype(jnp.float32), cntvec)
        else:
            def cbody(j, accs):
                v = ids_v[pl.ds(j * _L, _L)]
                one = jnp.ones((_L,), jnp.int32)
                return tuple(a + jnp.where(v == c, one, zero) for c, a in enumerate(accs))

            accs = lax.fori_loop(0, n_cnt_chunks, cbody, (zero,) * C)
            for c in range(C):
                cnt_c = lane_sum(accs[c]).astype(jnp.float32)
                cntvec = jnp.where(lane == c, cnt_c, cntvec)

        cnt_v[...] = cntvec
        pltpu.sync_copy(cnt_v, shared.at[pl.ds(sid * _L, _L)])
        plsc.subcore_barrier()
        pltpu.sync_copy(shared, all_v)

        def tbody(j, tot):
            return tot + all_v[pl.ds(j * _L, _L)]

        totals = lax.fori_loop(0, _NS, tbody, jnp.zeros((_L,), jnp.float32))

        @pl.when(jnp.logical_and(cid == 0, sid == 0))
        def _write():
            cnt_v[...] = totals
            pltpu.sync_copy(cnt_v, cnt_hbm)

    return sc_counts


def _tc_apply(B, counts_ref, tr_ref, ids_col_ref, x_ref, out_ref, sf_ref):
    i = pl.program_id(0)
    C = tr_ref.shape[0]

    @pl.when(i == 0)
    def _factors():
        for c in range(C):
            cur_ratio = counts_ref[c] / float(B)
            sf_ref[c] = tr_ref[c] / cur_ratio

    ids_col = ids_col_ref[...]
    s = jnp.full(ids_col.shape, sf_ref[C - 1], dtype=jnp.float32)
    for c in range(C - 2, -1, -1):
        s = jnp.where(ids_col == c, sf_ref[c], s)
    x = x_ref[...]
    xs = x * s
    out_ref[...] = xs + (x - xs)


def kernel(input, target_ratios, class_ids):
    B, D = input.shape
    C = target_ratios.shape[0]
    ids = class_ids.astype(jnp.int32)

    counts = _make_sc_counts(B, C)(ids)
    ids_col = ids.reshape(B, 1)

    R = 8192
    grid = (B // R,)
    return pl.pallas_call(
        functools.partial(_tc_apply, B),
        grid=grid,
        in_specs=[
            pl.BlockSpec(memory_space=pltpu.SMEM),
            pl.BlockSpec(memory_space=pltpu.SMEM),
            pl.BlockSpec((R, 1), lambda i: (i, 0)),
            pl.BlockSpec((R, D), lambda i: (i, 0)),
        ],
        out_specs=pl.BlockSpec((R, D), lambda i: (i, 0)),
        out_shape=jax.ShapeDtypeStruct((B, D), jnp.float32),
        scratch_shapes=[pltpu.SMEM((C,), jnp.float32)],
    )(counts, target_ratios, ids_col, input)

# --- scband reference (transcript-rebuilt; emitter-appended) ---
"""Pipeline reference for scband-grad-scaling-61418032333241 (READ-ONLY COPY).

The authoritative reference and input builder live on the scoring server;
editing this copy changes nothing except your own understanding.
"""

import jax, jax.numpy as jnp
import numpy as np

NUMS = [1, 2, 3, 4]


def setup_inputs(seed: int = 0) -> dict:
    key = jax.random.key(seed)
    k1, k2 = jax.random.split(key)
    B, D = 16384, 128
    C = len(NUMS)
    x = jax.random.normal(k1, (B, D), dtype=jnp.float32)
    class_ids = jax.random.randint(k2, (B,), 0, C, dtype=jnp.int64)
    amount = float(sum(NUMS))
    target_ratios = jnp.asarray([float(n) / amount for n in NUMS], dtype=jnp.float32)
    return {"input": x, "target_ratios": target_ratios, "class_ids": class_ids}


def reference(input, target_ratios, class_ids):
    # Faithful translation of Grad_Scaling.forward.
    # Original torch code builds scaling_factors by scatter-writing
    # target_ratio/cur_ratio into a zeros(batch_size) buffer per class,
    # then applies a custom autograd Function whose forward is identity
    # (scaling only affects the backward pass).
    B = input.shape[0]
    C = target_ratios.shape[0]
    counts = jnp.bincount(class_ids, length=C).astype(jnp.float32)
    cur_ratio = counts / float(B)
    sf_per_class = target_ratios / cur_ratio
    # scatter-overwrite into zeros buffer (mirrors scaling_factors[cls_indices] = ...)
    scaling_factors = jnp.zeros((B,), dtype=jnp.float32).at[jnp.arange(B)].set(
        sf_per_class[class_ids]
    )
    scaling_factors = scaling_factors.reshape(-1, 1)  # 2D input branch
    # grad_scaling.forward returns x unchanged (identity in the fwd pass)
    out = input * scaling_factors + (input - input * scaling_factors)
    return out

if __name__ == "__main__":
    import jax
    _d = setup_inputs()
    print(jax.jit(kernel)(*tuple(_d.values())))

</pallas_src>

<mosaic_0001>
#map = affine_map<(d0, d1) -> (0)>
module attributes {stable_mosaic.version = 14 : i64} {
  func.func @sc_counts(%arg0: i32, %arg1: i32, %arg2: memref<16384xi32, #tpu.memory_space<hbm>>, %arg3: memref<16xf32, #tpu.memory_space<hbm>>, %arg4: memref<1024xi32, #tpu.memory_space<vmem>>, %arg5: memref<16xf32, #tpu.memory_space<vmem>>, %arg6: memref<256xf32, #tpu.memory_space<vmem>>, %arg7: memref<256xf32, #tpu.memory_space<vmem_shared>>) attributes {dimension_semantics = [#tpu.dimension_semantics<core_parallel>, #tpu.dimension_semantics<subcore_parallel>], iteration_bounds = array<i64: 1, 16>, scalar_prefetch = 0 : i64, scratch_operands = 4 : i64, tpu.core_type = #tpu.core_type<sc_vector_subcore>, window_params = [{transform_indices = #map}, {transform_indices = #map}]} {
    %mul3A = arith.constant 1024 : i32
    %mul3A_0 = arith.muli %arg1, %mul3A : i32
    "tpu.region"() ({
      %run_scoped3A = tpu.sem_alloc : memref<!tpu.dma_semaphore, #tpu.memory_space<semaphore_mem>>
      %dma_start3A = tpu.memref_slice %arg2[%mul3A_0] : memref<16384xi32, #tpu.memory_space<hbm>> -> memref<1024xi32, #tpu.memory_space<hbm>>
      %dma_start3A_215 = tpu.memref_slice %arg2[%mul3A_0] : memref<16384xi32, #tpu.memory_space<hbm>> -> memref<1024xi32, #tpu.memory_space<hbm>>
      tpu.enqueue_dma source(%dma_start3A_215 : memref<1024xi32, #tpu.memory_space<hbm>>) target(%arg4 : memref<1024xi32, #tpu.memory_space<vmem>>) target_semaphore(%run_scoped3A : memref<!tpu.dma_semaphore, #tpu.memory_space<semaphore_mem>>)
      %dma_wait3A = tpu.memref_slice %arg2[%mul3A_0] : memref<16384xi32, #tpu.memory_space<hbm>> -> memref<1024xi32, #tpu.memory_space<hbm>>
      %dma_wait3A_216 = tpu.memref_slice %arg2[%mul3A_0] : memref<16384xi32, #tpu.memory_space<hbm>> -> memref<1024xi32, #tpu.memory_space<hbm>>
      tpu.wait_dma2 semaphore(%run_scoped3A : memref<!tpu.dma_semaphore, #tpu.memory_space<semaphore_mem>>) src(%dma_wait3A_216 : memref<1024xi32, #tpu.memory_space<hbm>>) dst(%arg4 : memref<1024xi32, #tpu.memory_space<vmem>>)
      tpu.yield
    }) : () -> ()
    %broadcast_in_dim3A = arith.constant 0 : i32
    %broadcast_in_dim3A_1 = vector.broadcast %broadcast_in_dim3A : i32 to vector<16xi32>
    %iota3A = tpu.iota {dimensions = array<i32: 0>} : vector<16xi32>
    %broadcast_in_dim3A_2 = arith.constant 0.000000e+00 : f32
    %broadcast_in_dim3A_3 = vector.broadcast %broadcast_in_dim3A_2 : f32 to vector<16xf32>
    %scan3A = arith.constant 0 : i32
    %scan3A_4 = arith.constant 64 : i32
    %scan3A_5 = arith.addi %scan3A, %scan3A_4 : i32
    %scan3A_6 = arith.constant 1 : i32
    %scan3A_7:3 = scf.for %scan3A_215 = %scan3A to %scan3A_5 step %scan3A_6 iter_args(%scan3A_216 = %broadcast_in_dim3A_1, %scan3A_217 = %broadcast_in_dim3A_1, %scan3A_218 = %broadcast_in_dim3A_1) -> (vector<16xi32>, vector<16xi32>, vector<16xi32>)  : i32 {
      %mul3A_219 = arith.constant 16 : i32
      %mul3A_220 = arith.muli %scan3A_215, %mul3A_219 : i32
      %get3A = arith.index_cast %mul3A_220 : i32 to index
      %get3A_221 = tpu.vector_load %arg4[%get3A] {strides = array<i32>} : memref<1024xi32, #tpu.memory_space<vmem>>, vector<16xi32>,
      %get3A_222 = vector.shape_cast %get3A_221 : vector<16xi32> to vector<16xi32>
      %and3A_223 = arith.constant 1 : i32
      %and3A_224 = vector.broadcast %and3A_223 : i32 to vector<16xi32>
      %and3A_225 = arith.andi %get3A_222, %and3A_224 : vector<16xi32>
      %shift_right_arithmetic3A = arith.constant 1 : i32
      %shift_right_arithmetic3A_226 = vector.broadcast %shift_right_arithmetic3A : i32 to vector<16xi32>
      %shift_right_arithmetic3A_227 = arith.shrsi %get3A_222, %shift_right_arithmetic3A_226 : vector<16xi32>
      %add3A_228 = arith.addi %scan3A_216, %and3A_225 : vector<16xi32>
      %add3A_229 = arith.addi %scan3A_217, %shift_right_arithmetic3A_227 : vector<16xi32>
      %mul3A_230 = arith.muli %and3A_225, %shift_right_arithmetic3A_227 : vector<16xi32>
      %add3A_231 = arith.addi %scan3A_218, %mul3A_230 : vector<16xi32>
      scf.yield %add3A_228, %add3A_229, %add3A_231 : vector<16xi32>, vector<16xi32>, vector<16xi32>
    }
    %scan3A_8 = arith.constant 64 : i32
    %xor3A = arith.constant 1 : i32
    %xor3A_9 = vector.broadcast %xor3A : i32 to vector<16xi32>
    %xor3A_10 = arith.xori %iota3A, %xor3A_9 : vector<16xi32>
    %lt3A = arith.constant 0 : i32
    %lt3A_11 = vector.broadcast %lt3A : i32 to vector<16xi32>
    %lt3A_12 = arith.cmpi slt, %xor3A_10, %lt3A_11 : vector<16xi32>
    %add3A = arith.constant 16 : i32
    %add3A_13 = vector.broadcast %add3A : i32 to vector<16xi32>
    %add3A_14 = arith.addi %xor3A_10, %add3A_13 : vector<16xi32>
    %select_n3A = arith.select %lt3A_12, %add3A_14, %xor3A_10 : vector<16xi1>, vector<16xi32>
    %broadcast_in_dim3A_15 = vector.shape_cast %select_n3A : vector<16xi32> to vector<16x1xi32>
    %gather3A = vector.shape_cast %broadcast_in_dim3A_15 : vector<16x1xi32> to vector<16xi32>
    %gather3A_16 = tpu.dynamic_gather %scan3A_7#0[%gather3A] in [0] : vector<16xi32>, vector<16xi32> -> vector<16xi32>
    %add3A_17 = arith.addi %scan3A_7#0, %gather3A_16 : vector<16xi32>
    %xor3A_18 = arith.constant 2 : i32
    %xor3A_19 = vector.broadcast %xor3A_18 : i32 to vector<16xi32>
    %xor3A_20 = arith.xori %iota3A, %xor3A_19 : vector<16xi32>
    %lt3A_21 = arith.constant 0 : i32
    %lt3A_22 = vector.broadcast %lt3A_21 : i32 to vector<16xi32>
    %lt3A_23 = arith.cmpi slt, %xor3A_20, %lt3A_22 : vector<16xi32>
    %add3A_24 = arith.constant 16 : i32
    %add3A_25 = vector.broadcast %add3A_24 : i32 to vector<16xi32>
    %add3A_26 = arith.addi %xor3A_20, %add3A_25 : vector<16xi32>
    %select_n3A_27 = arith.select %lt3A_23, %add3A_26, %xor3A_20 : vector<16xi1>, vector<16xi32>
    %broadcast_in_dim3A_28 = vector.shape_cast %select_n3A_27 : vector<16xi32> to vector<16x1xi32>
    %gather3A_29 = vector.shape_cast %broadcast_in_dim3A_28 : vector<16x1xi32> to vector<16xi32>
    %gather3A_30 = tpu.dynamic_gather %add3A_17[%gather3A_29] in [0] : vector<16xi32>, vector<16xi32> -> vector<16xi32>
    %add3A_31 = arith.addi %add3A_17, %gather3A_30 : vector<16xi32>
    %xor3A_32 = arith.constant 4 : i32
    %xor3A_33 = vector.broadcast %xor3A_32 : i32 to vector<16xi32>
    %xor3A_34 = arith.xori %iota3A, %xor3A_33 : vector<16xi32>
    %lt3A_35 = arith.constant 0 : i32
    %lt3A_36 = vector.broadcast %lt3A_35 : i32 to vector<16xi32>
    %lt3A_37 = arith.cmpi slt, %xor3A_34, %lt3A_36 : vector<16xi32>
    %add3A_38 = arith.constant 16 : i32
    %add3A_39 = vector.broadcast %add3A_38 : i32 to vector<16xi32>
    %add3A_40 = arith.addi %xor3A_34, %add3A_39 : vector<16xi32>
    %select_n3A_41 = arith.select %lt3A_37, %add3A_40, %xor3A_34 : vector<16xi1>, vector<16xi32>
    %broadcast_in_dim3A_42 = vector.shape_cast %select_n3A_41 : vector<16xi32> to vector<16x1xi32>
    %gather3A_43 = vector.shape_cast %broadcast_in_dim3A_42 : vector<16x1xi32> to vector<16xi32>
    %gather3A_44 = tpu.dynamic_gather %add3A_31[%gather3A_43] in [0] : vector<16xi32>, vector<16xi32> -> vector<16xi32>
    %add3A_45 = arith.addi %add3A_31, %gather3A_44 : vector<16xi32>
    %xor3A_46 = arith.constant 8 : i32
    %xor3A_47 = vector.broadcast %xor3A_46 : i32 to vector<16xi32>
    %xor3A_48 = arith.xori %iota3A, %xor3A_47 : vector<16xi32>
    %lt3A_49 = arith.constant 0 : i32
    %lt3A_50 = vector.broadcast %lt3A_49 : i32 to vector<16xi32>
    %lt3A_51 = arith.cmpi slt, %xor3A_48, %lt3A_50 : vector<16xi32>
    %add3A_52 = arith.constant 16 : i32
    %add3A_53 = vector.broadcast %add3A_52 : i32 to vector<16xi32>
    %add3A_54 = arith.addi %xor3A_48, %add3A_53 : vector<16xi32>
    %select_n3A_55 = arith.select %lt3A_51, %add3A_54, %xor3A_48 : vector<16xi1>, vector<16xi32>
    %broadcast_in_dim3A_56 = vector.shape_cast %select_n3A_55 : vector<16xi32> to vector<16x1xi32>
    %gather3A_57 = vector.shape_cast %broadcast_in_dim3A_56 : vector<16x1xi32> to vector<16xi32>
    %gather3A_58 = tpu.dynamic_gather %add3A_45[%gather3A_57] in [0] : vector<16xi32>, vector<16xi32> -> vector<16xi32>
    %add3A_59 = arith.addi %add3A_45, %gather3A_58 : vector<16xi32>
    %xor3A_60 = arith.constant 1 : i32
    %xor3A_61 = vector.broadcast %xor3A_60 : i32 to vector<16xi32>
    %xor3A_62 = arith.xori %iota3A, %xor3A_61 : vector<16xi32>
    %lt3A_63 = arith.constant 0 : i32
    %lt3A_64 = vector.broadcast %lt3A_63 : i32 to vector<16xi32>
    %lt3A_65 = arith.cmpi slt, %xor3A_62, %lt3A_64 : vector<16xi32>
    %add3A_66 = arith.constant 16 : i32
    %add3A_67 = vector.broadcast %add3A_66 : i32 to vector<16xi32>
    %add3A_68 = arith.addi %xor3A_62, %add3A_67 : vector<16xi32>
    %select_n3A_69 = arith.select %lt3A_65, %add3A_68, %xor3A_62 : vector<16xi1>, vector<16xi32>
    %broadcast_in_dim3A_70 = vector.shape_cast %select_n3A_69 : vector<16xi32> to vector<16x1xi32>
    %gather3A_71 = vector.shape_cast %broadcast_in_dim3A_70 : vector<16x1xi32> to vector<16xi32>
    %gather3A_72 = tpu.dynamic_gather %scan3A_7#1[%gather3A_71] in [0] : vector<16xi32>, vector<16xi32> -> vector<16xi32>
    %add3A_73 = arith.addi %scan3A_7#1, %gather3A_72 : vector<16xi32>
    %xor3A_74 = arith.constant 2 : i32
    %xor3A_75 = vector.broadcast %xor3A_74 : i32 to vector<16xi32>
    %xor3A_76 = arith.xori %iota3A, %xor3A_75 : vector<16xi32>
    %lt3A_77 = arith.constant 0 : i32
    %lt3A_78 = vector.broadcast %lt3A_77 : i32 to vector<16xi32>
    %lt3A_79 = arith.cmpi slt, %xor3A_76, %lt3A_78 : vector<16xi32>
    %add3A_80 = arith.constant 16 : i32
    %add3A_81 = vector.broadcast %add3A_80 : i32 to vector<16xi32>
    %add3A_82 = arith.addi %xor3A_76, %add3A_81 : vector<16xi32>
    %select_n3A_83 = arith.select %lt3A_79, %add3A_82, %xor3A_76 : vector<16xi1>, vector<16xi32>
    %broadcast_in_dim3A_84 = vector.shape_cast %select_n3A_83 : vector<16xi32> to vector<16x1xi32>
    %gather3A_85 = vector.shape_cast %broadcast_in_dim3A_84 : vector<16x1xi32> to vector<16xi32>
    %gather3A_86 = tpu.dynamic_gather %add3A_73[%gather3A_85] in [0] : vector<16xi32>, vector<16xi32> -> vector<16xi32>
    %add3A_87 = arith.addi %add3A_73, %gather3A_86 : vector<16xi32>
    %xor3A_88 = arith.constant 4 : i32
    %xor3A_89 = vector.broadcast %xor3A_88 : i32 to vector<16xi32>
    %xor3A_90 = arith.xori %iota3A, %xor3A_89 : vector<16xi32>
    %lt3A_91 = arith.constant 0 : i32
    %lt3A_92 = vector.broadcast %lt3A_91 : i32 to vector<16xi32>
    %lt3A_93 = arith.cmpi slt, %xor3A_90, %lt3A_92 : vector<16xi32>
    %add3A_94 = arith.constant 16 : i32
    %add3A_95 = vector.broadcast %add3A_94 : i32 to vector<16xi32>
    %add3A_96 = arith.addi %xor3A_90, %add3A_95 : vector<16xi32>
    %select_n3A_97 = arith.select %lt3A_93, %add3A_96, %xor3A_90 : vector<16xi1>, vector<16xi32>
    %broadcast_in_dim3A_98 = vector.shape_cast %select_n3A_97 : vector<16xi32> to vector<16x1xi32>
    %gather3A_99 = vector.shape_cast %broadcast_in_dim3A_98 : vector<16x1xi32> to vector<16xi32>
    %gather3A_100 = tpu.dynamic_gather %add3A_87[%gather3A_99] in [0] : vector<16xi32>, vector<16xi32> -> vector<16xi32>
    %add3A_101 = arith.addi %add3A_87, %gather3A_100 : vector<16xi32>
    %xor3A_102 = arith.constant 8 : i32
    %xor3A_103 = vector.broadcast %xor3A_102 : i32 to vector<16xi32>
    %xor3A_104 = arith.xori %iota3A, %xor3A_103 : vector<16xi32>
    %lt3A_105 = arith.constant 0 : i32
    %lt3A_106 = vector.broadcast %lt3A_105 : i32 to vector<16xi32>
    %lt3A_107 = arith.cmpi slt, %xor3A_104, %lt3A_106 : vector<16xi32>
    %add3A_108 = arith.constant 16 : i32
    %add3A_109 = vector.broadcast %add3A_108 : i32 to vector<16xi32>
    %add3A_110 = arith.addi %xor3A_104, %add3A_109 : vector<16xi32>
    %select_n3A_111 = arith.select %lt3A_107, %add3A_110, %xor3A_104 : vector<16xi1>, vector<16xi32>
    %broadcast_in_dim3A_112 = vector.shape_cast %select_n3A_111 : vector<16xi32> to vector<16x1xi32>
    %gather3A_113 = vector.shape_cast %broadcast_in_dim3A_112 : vector<16x1xi32> to vector<16xi32>
    %gather3A_114 = tpu.dynamic_gather %add3A_101[%gather3A_113] in [0] : vector<16xi32>, vector<16xi32> -> vector<16xi32>
    %add3A_115 = arith.addi %add3A_101, %gather3A_114 : vector<16xi32>
    %xor3A_116 = arith.constant 1 : i32
    %xor3A_117 = vector.broadcast %xor3A_116 : i32 to vector<16xi32>
    %xor3A_118 = arith.xori %iota3A, %xor3A_117 : vector<16xi32>
    %lt3A_119 = arith.constant 0 : i32
    %lt3A_120 = vector.broadcast %lt3A_119 : i32 to vector<16xi32>
    %lt3A_121 = arith.cmpi slt, %xor3A_118, %lt3A_120 : vector<16xi32>
    %add3A_122 = arith.constant 16 : i32
    %add3A_123 = vector.broadcast %add3A_122 : i32 to vector<16xi32>
    %add3A_124 = arith.addi %xor3A_118, %add3A_123 : vector<16xi32>
    %select_n3A_125 = arith.select %lt3A_121, %add3A_124, %xor3A_118 : vector<16xi1>, vector<16xi32>
    %broadcast_in_dim3A_126 = vector.shape_cast %select_n3A_125 : vector<16xi32> to vector<16x1xi32>
    %gather3A_127 = vector.shape_cast %broadcast_in_dim3A_126 : vector<16x1xi32> to vector<16xi32>
    %gather3A_128 = tpu.dynamic_gather %scan3A_7#2[%gather3A_127] in [0] : vector<16xi32>, vector<16xi32> -> vector<16xi32>
    %add3A_129 = arith.addi %scan3A_7#2, %gather3A_128 : vector<16xi32>
    %xor3A_130 = arith.constant 2 : i32
    %xor3A_131 = vector.broadcast %xor3A_130 : i32 to vector<16xi32>
    %xor3A_132 = arith.xori %iota3A, %xor3A_131 : vector<16xi32>
    %lt3A_133 = arith.constant 0 : i32
    %lt3A_134 = vector.broadcast %lt3A_133 : i32 to vector<16xi32>
    %lt3A_135 = arith.cmpi slt, %xor3A_132, %lt3A_134 : vector<16xi32>
    %add3A_136 = arith.constant 16 : i32
    %add3A_137 = vector.broadcast %add3A_136 : i32 to vector<16xi32>
    %add3A_138 = arith.addi %xor3A_132, %add3A_137 : vector<16xi32>
    %select_n3A_139 = arith.select %lt3A_135, %add3A_138, %xor3A_132 : vector<16xi1>, vector<16xi32>
    %broadcast_in_dim3A_140 = vector.shape_cast %select_n3A_139 : vector<16xi32> to vector<16x1xi32>
    %gather3A_141 = vector.shape_cast %broadcast_in_dim3A_140 : vector<16x1xi32> to vector<16xi32>
    %gather3A_142 = tpu.dynamic_gather %add3A_129[%gather3A_141] in [0] : vector<16xi32>, vector<16xi32> -> vector<16xi32>
    %add3A_143 = arith.addi %add3A_129, %gather3A_142 : vector<16xi32>
    %xor3A_144 = arith.constant 4 : i32
    %xor3A_145 = vector.broadcast %xor3A_144 : i32 to vector<16xi32>
    %xor3A_146 = arith.xori %iota3A, %xor3A_145 : vector<16xi32>
    %lt3A_147 = arith.constant 0 : i32
    %lt3A_148 = vector.broadcast %lt3A_147 : i32 to vector<16xi32>
    %lt3A_149 = arith.cmpi slt, %xor3A_146, %lt3A_148 : vector<16xi32>
    %add3A_150 = arith.constant 16 : i32
    %add3A_151 = vector.broadcast %add3A_150 : i32 to vector<16xi32>
    %add3A_152 = arith.addi %xor3A_146, %add3A_151 : vector<16xi32>
    %select_n3A_153 = arith.select %lt3A_149, %add3A_152, %xor3A_146 : vector<16xi1>, vector<16xi32>
    %broadcast_in_dim3A_154 = vector.shape_cast %select_n3A_153 : vector<16xi32> to vector<16x1xi32>
    %gather3A_155 = vector.shape_cast %broadcast_in_dim3A_154 : vector<16x1xi32> to vector<16xi32>
    %gather3A_156 = tpu.dynamic_gather %add3A_143[%gather3A_155] in [0] : vector<16xi32>, vector<16xi32> -> vector<16xi32>
    %add3A_157 = arith.addi %add3A_143, %gather3A_156 : vector<16xi32>
    %xor3A_158 = arith.constant 8 : i32
    %xor3A_159 = vector.broadcast %xor3A_158 : i32 to vector<16xi32>
    %xor3A_160 = arith.xori %iota3A, %xor3A_159 : vector<16xi32>
    %lt3A_161 = arith.constant 0 : i32
    %lt3A_162 = vector.broadcast %lt3A_161 : i32 to vector<16xi32>
    %lt3A_163 = arith.cmpi slt, %xor3A_160, %lt3A_162 : vector<16xi32>
    %add3A_164 = arith.constant 16 : i32
    %add3A_165 = vector.broadcast %add3A_164 : i32 to vector<16xi32>
    %add3A_166 = arith.addi %xor3A_160, %add3A_165 : vector<16xi32>
    %select_n3A_167 = arith.select %lt3A_163, %add3A_166, %xor3A_160 : vector<16xi1>, vector<16xi32>
    %broadcast_in_dim3A_168 = vector.shape_cast %select_n3A_167 : vector<16xi32> to vector<16x1xi32>
    %gather3A_169 = vector.shape_cast %broadcast_in_dim3A_168 : vector<16x1xi32> to vector<16xi32>
    %gather3A_170 = tpu.dynamic_gather %add3A_157[%gather3A_169] in [0] : vector<16xi32>, vector<16xi32> -> vector<16xi32>
    %add3A_171 = arith.addi %add3A_157, %gather3A_170 : vector<16xi32>
    %broadcast_in_dim3A_172 = arith.constant 1024 : i32
    %broadcast_in_dim3A_173 = vector.broadcast %broadcast_in_dim3A_172 : i32 to vector<16xi32>
    %sub3A = arith.subi %broadcast_in_dim3A_173, %add3A_59 : vector<16xi32>
    %sub3A_174 = arith.subi %sub3A, %add3A_115 : vector<16xi32>
    %add3A_175 = arith.addi %sub3A_174, %add3A_171 : vector<16xi32>
    %sub3A_176 = arith.subi %add3A_59, %add3A_171 : vector<16xi32>
    %sub3A_177 = arith.subi %add3A_115, %add3A_171 : vector<16xi32>
    %eq3A = arith.constant 0 : i32
    %eq3A_178 = vector.broadcast %eq3A : i32 to vector<16xi32>
    %eq3A_179 = arith.cmpi eq, %iota3A, %eq3A_178 : vector<16xi32>
    %convert_element_type3A = arith.sitofp %add3A_175 : vector<16xi32> to vector<16xf32>
    %select_n3A_180 = arith.select %eq3A_179, %convert_element_type3A, %broadcast_in_dim3A_3 : vector<16xi1>, vector<16xf32>
    %eq3A_181 = arith.constant 1 : i32
    %eq3A_182 = vector.broadcast %eq3A_181 : i32 to vector<16xi32>
    %eq3A_183 = arith.cmpi eq, %iota3A, %eq3A_182 : vector<16xi32>
    %convert_element_type3A_184 = arith.sitofp %sub3A_176 : vector<16xi32> to vector<16xf32>
    %select_n3A_185 = arith.select %eq3A_183, %convert_element_type3A_184, %select_n3A_180 : vector<16xi1>, vector<16xf32>
    %eq3A_186 = arith.constant 2 : i32
    %eq3A_187 = vector.broadcast %eq3A_186 : i32 to vector<16xi32>
    %eq3A_188 = arith.cmpi eq, %iota3A, %eq3A_187 : vector<16xi32>
    %convert_element_type3A_189 = arith.sitofp %sub3A_177 : vector<16xi32> to vector<16xf32>
    %select_n3A_190 = arith.select %eq3A_188, %convert_element_type3A_189, %select_n3A_185 : vector<16xi1>, vector<16xf32>
    %eq3A_191 = arith.constant 3 : i32
    %eq3A_192 = vector.broadcast %eq3A_191 : i32 to vector<16xi32>
    %eq3A_193 = arith.cmpi eq, %iota3A, %eq3A_192 : vector<16xi32>
    %convert_element_type3A_194 = arith.sitofp %add3A_171 : vector<16xi32> to vector<16xf32>
    %select_n3A_195 = arith.select %eq3A_193, %convert_element_type3A_194, %select_n3A_190 : vector<16xi1>, vector<16xf32>
    %swap3A = arith.constant 0 : index
    %swap3A_196 = tpu.vector_load %arg5[%swap3A] {strides = array<i32>} : memref<16xf32, #tpu.memory_space<vmem>>, vector<16xf32>,
    %swap3A_197 = vector.shape_cast %swap3A_196 : vector<16xf32> to vector<16xf32>
    %swap3A_198 = vector.shape_cast %select_n3A_195 : vector<16xf32> to vector<16xf32>
    tpu.vector_store %arg5[%swap3A], %swap3A_198 {strides = array<i32>} : memref<16xf32, #tpu.memory_space<vmem>>, vector<16xf32>,
    %mul3A_199 = arith.constant 16 : i32
    %mul3A_200 = arith.muli %arg1, %mul3A_199 : i32
    "tpu.region"() ({
      %run_scoped3A = tpu.sem_alloc : memref<!tpu.dma_semaphore, #tpu.memory_space<semaphore_mem>>
      %dma_start3A = tpu.memref_slice %arg7[%mul3A_200] : memref<256xf32, #tpu.memory_space<vmem_shared>> -> memref<16xf32, #tpu.memory_space<vmem_shared>>
      %dma_start3A_215 = tpu.memref_slice %arg7[%mul3A_200] : memref<256xf32, #tpu.memory_space<vmem_shared>> -> memref<16xf32, #tpu.memory_space<vmem_shared>>
      tpu.enqueue_dma source(%arg5 : memref<16xf32, #tpu.memory_space<vmem>>) target(%dma_start3A_215 : memref<16xf32, #tpu.memory_space<vmem_shared>>) target_semaphore(%run_scoped3A : memref<!tpu.dma_semaphore, #tpu.memory_space<semaphore_mem>>)
      %dma_wait3A = tpu.memref_slice %arg7[%mul3A_200] : memref<256xf32, #tpu.memory_space<vmem_shared>> -> memref<16xf32, #tpu.memory_space<vmem_shared>>
      %dma_wait3A_216 = tpu.memref_slice %arg7[%mul3A_200] : memref<256xf32, #tpu.memory_space<vmem_shared>> -> memref<16xf32, #tpu.memory_space<vmem_shared>>
      tpu.wait_dma2 semaphore(%run_scoped3A : memref<!tpu.dma_semaphore, #tpu.memory_space<semaphore_mem>>) src(%arg5 : memref<16xf32, #tpu.memory_space<vmem>>) dst(%dma_wait3A_216 : memref<16xf32, #tpu.memory_space<vmem_shared>>)
      tpu.yield
    }) : () -> ()
    %barrier3A = arith.constant 0 : index
    tpu.barrier barrier_id(%barrier3A)
    "tpu.region"() ({
      %run_scoped3A = tpu.sem_alloc : memref<!tpu.dma_semaphore, #tpu.memory_space<semaphore_mem>>
      tpu.enqueue_dma source(%arg7 : memref<256xf32, #tpu.memory_space<vmem_shared>>) target(%arg6 : memref<256xf32, #tpu.memory_space<vmem>>) target_semaphore(%run_scoped3A : memref<!tpu.dma_semaphore, #tpu.memory_space<semaphore_mem>>)
      tpu.wait_dma2 semaphore(%run_scoped3A : memref<!tpu.dma_semaphore, #tpu.memory_space<semaphore_mem>>) src(%arg7 : memref<256xf32, #tpu.memory_space<vmem_shared>>) dst(%arg6 : memref<256xf32, #tpu.memory_space<vmem>>)
      tpu.yield
    }) : () -> ()
    %broadcast_in_dim3A_201 = arith.constant 0.000000e+00 : f32
    %broadcast_in_dim3A_202 = vector.broadcast %broadcast_in_dim3A_201 : f32 to vector<16xf32>
    %scan3A_203 = arith.constant 0 : i32
    %scan3A_204 = arith.constant 16 : i32
    %scan3A_205 = arith.addi %scan3A_203, %scan3A_204 : i32
    %scan3A_206 = arith.constant 1 : i32
    %scan3A_207 = scf.for %scan3A_215 = %scan3A_203 to %scan3A_205 step %scan3A_206 iter_args(%scan3A_216 = %broadcast_in_dim3A_202) -> (vector<16xf32>)  : i32 {
      %mul3A_217 = arith.constant 16 : i32
      %mul3A_218 = arith.muli %scan3A_215, %mul3A_217 : i32
      %get3A = arith.index_cast %mul3A_218 : i32 to index
      %get3A_219 = tpu.vector_load %arg6[%get3A] {strides = array<i32>} : memref<256xf32, #tpu.memory_space<vmem>>, vector<16xf32>,
      %get3A_220 = vector.shape_cast %get3A_219 : vector<16xf32> to vector<16xf32>
      %add3A_221 = arith.addf %scan3A_216, %get3A_220 : vector<16xf32>
      scf.yield %add3A_221 : vector<16xf32>
    }
    %scan3A_208 = arith.constant 16 : i32
    %eq3A_209 = arith.constant 0 : i32
    %eq3A_210 = arith.cmpi eq, %arg0, %eq3A_209 : i32
    %eq3A_211 = arith.constant 0 : i32
    %eq3A_212 = arith.cmpi eq, %arg1, %eq3A_211 : i32
    %and3A = arith.andi %eq3A_210, %eq3A_212 : i1
    %convert_element_type3A_213 = arith.extui %and3A : i1 to i32
    %cond3A = arith.constant 0 : i32
    %cond3A_214 = arith.cmpi ne, %convert_element_type3A_213, %cond3A : i32
    scf.if %cond3A_214 {
      %swap3A_215 = arith.constant 0 : index
      %swap3A_216 = tpu.vector_load %arg5[%swap3A_215] {strides = array<i32>} : memref<16xf32, #tpu.memory_space<vmem>>, vector<16xf32>,
      %swap3A_217 = vector.shape_cast %swap3A_216 : vector<16xf32> to vector<16xf32>
      %swap3A_218 = vector.shape_cast %scan3A_207 : vector<16xf32> to vector<16xf32>
      tpu.vector_store %arg5[%swap3A_215], %swap3A_218 {strides = array<i32>} : memref<16xf32, #tpu.memory_space<vmem>>, vector<16xf32>,
      "tpu.region"() ({
        %run_scoped3A = tpu.sem_alloc : memref<!tpu.dma_semaphore, #tpu.memory_space<semaphore_mem>>
        tpu.enqueue_dma source(%arg5 : memref<16xf32, #tpu.memory_space<vmem>>) target(%arg3 : memref<16xf32, #tpu.memory_space<hbm>>) target_semaphore(%run_scoped3A : memref<!tpu.dma_semaphore, #tpu.memory_space<semaphore_mem>>)
        tpu.wait_dma2 semaphore(%run_scoped3A : memref<!tpu.dma_semaphore, #tpu.memory_space<semaphore_mem>>) src(%arg5 : memref<16xf32, #tpu.memory_space<vmem>>) dst(%arg3 : memref<16xf32, #tpu.memory_space<hbm>>)
        tpu.yield
      }) : () -> ()
    } else {
    }
    return
  }
}

module attributes {stable_mosaic.version = 14 : i64} {
  func.func @_tc_apply(%arg0: i32, %arg1: memref<16xf32, #tpu.memory_space<smem>>, %arg2: memref<4xf32, #tpu.memory_space<smem>>, %arg3: memref<8192x1xi32, #tpu.memory_space<vmem>>, %arg4: memref<8192x128xf32, #tpu.memory_space<vmem>>, %arg5: memref<8192x128xf32, #tpu.memory_space<vmem>>, %arg6: memref<4xf32, #tpu.memory_space<smem>>) attributes {dimension_semantics = [#tpu.dimension_semantics<arbitrary>], iteration_bounds = array<i64: 2>, scalar_prefetch = 0 : i64, scratch_operands = 1 : i64, tpu.core_type = #tpu.core_type<tc>, window_params = [{transform_indices = @transform_0, window_bounds = array<i64: 16>}, {transform_indices = @transform_1, window_bounds = array<i64: 4>}, {transform_indices = @transform_2, window_bounds = array<i64: 8192, 1>}, {transform_indices = @transform_3, window_bounds = array<i64: 8192, 128>}, {transform_indices = @transform_4, window_bounds = array<i64: 8192, 128>}]} {
    %eq3A = arith.constant 0 : i32
    %eq3A_0 = arith.cmpi eq, %arg0, %eq3A : i32
    %convert_element_type3A = arith.extui %eq3A_0 : i1 to i32
    %cond3A = arith.constant 0 : i32
    %cond3A_1 = arith.cmpi ne, %convert_element_type3A, %cond3A : i32
    scf.if %cond3A_1 {
      %get3A_32 = arith.constant 0 : index
      %get3A_33 = memref.load %arg1[%get3A_32] : memref<16xf32, #tpu.memory_space<smem>>
      %div3A = arith.constant 1.638400e+04 : f32
      %div3A_34 = arith.divf %get3A_33, %div3A : f32
      %get3A_35 = arith.constant 0 : index
      %get3A_36 = memref.load %arg2[%get3A_35] : memref<4xf32, #tpu.memory_space<smem>>
      %div3A_37 = arith.divf %get3A_36, %div3A_34 : f32
      %swap3A_38 = arith.constant 0 : index
      %swap3A_39 = memref.load %arg6[%swap3A_38] : memref<4xf32, #tpu.memory_space<smem>>
      memref.store %div3A_37, %arg6[%swap3A_38] : memref<4xf32, #tpu.memory_space<smem>>
      %get3A_40 = arith.constant 1 : index
      %get3A_41 = memref.load %arg1[%get3A_40] : memref<16xf32, #tpu.memory_space<smem>>
      %div3A_42 = arith.constant 1.638400e+04 : f32
      %div3A_43 = arith.divf %get3A_41, %div3A_42 : f32
      %get3A_44 = arith.constant 1 : index
      %get3A_45 = memref.load %arg2[%get3A_44] : memref<4xf32, #tpu.memory_space<smem>>
      %div3A_46 = arith.divf %get3A_45, %div3A_43 : f32
      %swap3A_47 = arith.constant 1 : index
      %swap3A_48 = memref.load %arg6[%swap3A_47] : memref<4xf32, #tpu.memory_space<smem>>
      memref.store %div3A_46, %arg6[%swap3A_47] : memref<4xf32, #tpu.memory_space<smem>>
      %get3A_49 = arith.constant 2 : index
      %get3A_50 = memref.load %arg1[%get3A_49] : memref<16xf32, #tpu.memory_space<smem>>
      %div3A_51 = arith.constant 1.638400e+04 : f32
      %div3A_52 = arith.divf %get3A_50, %div3A_51 : f32
      %get3A_53 = arith.constant 2 : index
      %get3A_54 = memref.load %arg2[%get3A_53] : memref<4xf32, #tpu.memory_space<smem>>
      %div3A_55 = arith.divf %get3A_54, %div3A_52 : f32
      %swap3A_56 = arith.constant 2 : index
      %swap3A_57 = memref.load %arg6[%swap3A_56] : memref<4xf32, #tpu.memory_space<smem>>
      memref.store %div3A_55, %arg6[%swap3A_56] : memref<4xf32, #tpu.memory_space<smem>>
      %get3A_58 = arith.constant 3 : index
      %get3A_59 = memref.load %arg1[%get3A_58] : memref<16xf32, #tpu.memory_space<smem>>
      %div3A_60 = arith.constant 1.638400e+04 : f32
      %div3A_61 = arith.divf %get3A_59, %div3A_60 : f32
      %get3A_62 = arith.constant 3 : index
      %get3A_63 = memref.load %arg2[%get3A_62] : memref<4xf32, #tpu.memory_space<smem>>
      %div3A_64 = arith.divf %get3A_63, %div3A_61 : f32
      %swap3A_65 = arith.constant 3 : index
      %swap3A_66 = memref.load %arg6[%swap3A_65] : memref<4xf32, #tpu.memory_space<smem>>
      memref.store %div3A_64, %arg6[%swap3A_65] : memref<4xf32, #tpu.memory_space<smem>>
    } else {
    }
    %get3A = arith.constant 0 : index
    %get3A_2 = arith.constant 0 : index
    %get3A_3 = vector.load %arg3[%get3A, %get3A_2] : memref<8192x1xi32, #tpu.memory_space<vmem>>, vector<8192x1xi32>
    %get3A_4 = arith.constant 3 : index
    %get3A_5 = memref.load %arg6[%get3A_4] : memref<4xf32, #tpu.memory_space<smem>>
    %broadcast_in_dim3A = vector.broadcast %get3A_5 : f32 to vector<8192x1xf32>
    %eq3A_6 = arith.constant 2 : i32
    %eq3A_7 = vector.broadcast %eq3A_6 : i32 to vector<8192x1xi32>
    %eq3A_8 = arith.cmpi eq, %get3A_3, %eq3A_7 : vector<8192x1xi32>
    %get3A_9 = arith.constant 2 : index
    %get3A_10 = memref.load %arg6[%get3A_9] : memref<4xf32, #tpu.memory_space<smem>>
    %broadcast_in_dim3A_11 = vector.broadcast %get3A_10 : f32 to vector<8192x1xf32>
    %select_n3A = arith.select %eq3A_8, %broadcast_in_dim3A_11, %broadcast_in_dim3A : vector<8192x1xi1>, vector<8192x1xf32>
    %eq3A_12 = arith.constant 1 : i32
    %eq3A_13 = vector.broadcast %eq3A_12 : i32 to vector<8192x1xi32>
    %eq3A_14 = arith.cmpi eq, %get3A_3, %eq3A_13 : vector<8192x1xi32>
    %get3A_15 = arith.constant 1 : index
    %get3A_16 = memref.load %arg6[%get3A_15] : memref<4xf32, #tpu.memory_space<smem>>
    %broadcast_in_dim3A_17 = vector.broadcast %get3A_16 : f32 to vector<8192x1xf32>
    %select_n3A_18 = arith.select %eq3A_14, %broadcast_in_dim3A_17, %select_n3A : vector<8192x1xi1>, vector<8192x1xf32>
    %eq3A_19 = arith.constant 0 : i32
    %eq3A_20 = vector.broadcast %eq3A_19 : i32 to vector<8192x1xi32>
    %eq3A_21 = arith.cmpi eq, %get3A_3, %eq3A_20 : vector<8192x1xi32>
    %get3A_22 = arith.constant 0 : index
    %get3A_23 = memref.load %arg6[%get3A_22] : memref<4xf32, #tpu.memory_space<smem>>
    %broadcast_in_dim3A_24 = vector.broadcast %get3A_23 : f32 to vector<8192x1xf32>
    %select_n3A_25 = arith.select %eq3A_21, %broadcast_in_dim3A_24, %select_n3A_18 : vector<8192x1xi1>, vector<8192x1xf32>
    %get3A_26 = arith.constant 0 : index
    %get3A_27 = arith.constant 0 : index
    %get3A_28 = vector.load %arg4[%get3A_26, %get3A_27] : memref<8192x128xf32, #tpu.memory_space<vmem>>, vector<8192x128xf32>
    %mul3A = vector.broadcast %select_n3A_25 : vector<8192x1xf32> to vector<8192x128xf32>
    %mul3A_29 = arith.mulf %get3A_28, %mul3A : vector<8192x128xf32>
    %sub3A = arith.subf %get3A_28, %mul3A_29 : vector<8192x128xf32>
    %add3A = arith.addf %mul3A_29, %sub3A : vector<8192x128xf32>
    %swap3A = arith.constant 0 : index
    %swap3A_30 = arith.constant 0 : index
    %swap3A_31 = vector.load %arg5[%swap3A, %swap3A_30] : memref<8192x128xf32, #tpu.memory_space<vmem>>, vector<8192x128xf32>
    tpu.vector_store %arg5[%swap3A, %swap3A_30], %add3A {strides = array<i32>} : memref<8192x128xf32, #tpu.memory_space<vmem>>, vector<8192x128xf32>,
    return
  }
  func.func @transform_0(%arg0: i32) -> i32 {
    %c0_i32 = arith.constant 0 : i32
    %c0_i32_0 = arith.constant 0 : i32
    return %c0_i32 : i32
  }
  func.func @transform_1(%arg0: i32) -> i32 {
    %c0_i32 = arith.constant 0 : i32
    %c0_i32_0 = arith.constant 0 : i32
    return %c0_i32 : i32
  }
  func.func @transform_2(%arg0: i32) -> (i32, i32) {
    %c0_i32 = arith.constant 0 : i32
    %c0_i32_0 = arith.constant 0 : i32
    return %arg0, %c0_i32 : i32, i32
  }
  func.func @transform_3(%arg0: i32) -> (i32, i32) {
    %c0_i32 = arith.constant 0 : i32
    %c0_i32_0 = arith.constant 0 : i32
    return %arg0, %c0_i32 : i32, i32
  }
  func.func @transform_4(%arg0: i32) -> (i32, i32) {
    %c0_i32 = arith.constant 0 : i32
    %c0_i32_0 = arith.constant 0 : i32
    return %arg0, %c0_i32 : i32, i32
  }
}

</mosaic_0001>

<sc_bundles>
// kernel: kernel.4.cloned.1.call-start
scs
__scs_entry_jumppad:
0x0: {  	(pc) =	sbr.rel $0x88, $3  }
0x1: {  	(tag) =	ssettag $0x0;
	lr =	simm.s32 $0x1  }
0x2: {  	[smem:$0x3F9E] =	sst lr;
	_ =	strace $0xD0000000  }
0x3: {  	_ = 	snop  }
0x4: {  	_ = 	snop  }
0x5: {  	_ = 	snop  }
0x6: {  	_ = 	snop  }
0x7: {  	_ = 	snop  }
__scs_overlays_trampoline_lowered:
0x8: {  	[smem:$0x3FAD] =	sst s0  }
0x9: {  	[smem:$0x3FAE] =	sst s1  }
0xa: {  	[smem:$0x3FAF] =	sst s2  }
0xb: {  	[smem:$0x3FB0] =	sst s3  }
0xc: {  	[smem:$0x3FB1] =	sst s4  }
0xd: {  	[smem:$0x3FB2] =	sst s5  }
0xe: {  	[smem:$0x3FB3] =	sst s6  }
0xf: {  	[smem:$0x3FB4] =	sst s7  }
0x10: {  	[smem:$0x3FB5] =	sst s8  }
0x11: {  	[smem:$0x3FB6] =	sst s9;
	s0 =	simm.s32 @!p0 $0x0  }
0x12: {  	s1 =	sld [smem:$0x3F9C];
	s0 =	simm.s32 @p0 $0x1  }
0x13: {  	[smem:$0x3FB7] =	sst s0;
	s0 =	simm.s32 @!p1 $0x0  }
0x14: {  	s2 =	sld [smem:$0x3F9B];
	s0 =	simm.s32 @p1 $0x1  }
0x15: {  	[smem:$0x3FB8] =	sst s0;
	s0 =	simm.s32 @!p2 $0x0  }
0x16: {  	s3 =	sld [smem:$0x3FDB];
	s0 =	simm.s32 @p2 $0x1  }
0x17: {  	s4 =	simm.s32 $0x1BF5;
	[smem:$0x3FBA] =	sst s0  }
0x18: {  	s0 =	sld [smem:$0x3F9D];
	_ =	swait.ge [sflag:s4], $0x0  }
0x19: {  	s7 =	sld [smem:$0x3F9E]  }
0x1a: {  	s8 =	sadd.s32 $0xFFFFE003, lr  }
0x1b: {  	s9 =	sadd.s32 $0xFFFFFEF7, lr;
	s5 =	simm.s32 $0xFFFFFFFF;
	p2 =	slt.u32 s8, $0xFFFFF086  }
0x1c: {  	p1 =	slt.u32 s9, $0xF7A;
	s5 =	simm.s32 @!p2 $0x0  }
0x1d: {  	s5 =	simm.s32 @p1 $0x1;
	p0 =	seq.s32 s7, s2  }
0x1e: {  	s7 =	smul.u32 @!p0 $0xF7A, s2;
	p2 =	seq.s32 @!p0 s5, $0x0  }
0x1f: {  	s9 =	smul.u32 $0xF7A, s1;
	s8 =	simm.s32 @!p0 $0x1BF5;
	p2 =	por !p2, p0  }
0x20: {  	[sflag:s8] =	ssyncset.s32 @!p0 $0xFFFFF086;
	s6 =	sadd.s32 @!p0 s3, s7;
	s7 =	simm.s32 @!p0 $0x108  }
0x21: {  	s3 =	sadd.s32 s3, s9;
	s6 =	sadd.s32 @!p0 $0x88, s6;
	s7 =	simm.s32 @p2 $0x1082  }
0x22: {  	[simem:s7], [sflag:s8] =	dma.local @!p0 [hbm:s6], $0xF7A  }
0x23: {  	s9 =	sor.u32 $0xD0000000, s2;
	s6 =	simm.s32 $0x108;
	_ =	swait.ge @!p0 [sflag:s8], $0x0  }
0x24: {  	s3 =	sadd.s32 $0x88, s3;
	s6 =	simm.s32 @!p1 $0x1082;
	[sflag:s4] =	ssyncset.s32 $0xFFFFF086  }
0x25: {  	[simem:s6], [sflag:s4] =	dma.local [hbm:s3], $0xF7A  }
0x26: {  	[smem:$0x3F9E] =	sst s1;
	(tag) =	ssettag s2;
	_ =	strace s9  }
0x27: {  	s1 =	sld [smem:$0x3FAE]  }
0x28: {  	s2 =	sld [smem:$0x3FAF]  }
0x29: {  	s4 =	sld [smem:$0x3FB1]  }
0x2a: {  	p0 =	seq.s32 s5, $0x0;
	s5 =	sld [smem:$0x3FB2]  }
0x2b: {  	s6 =	sld [smem:$0x3FB3]  }
0x2c: {  	s7 =	sld [smem:$0x3FB4]  }
0x2d: {  	s3 =	simm.s32 $0x108;
	s8 =	sld [smem:$0x3FB5]  }
0x2e: {  	s3 =	simm.s32 @!p0 $0x1082;
	s9 =	sld [smem:$0x3FB6]  }
0x2f: {  	lr =	sadd.s32 s0, s3;
	s0 =	sld [smem:$0x3FAD]  }
0x30: {  	s3 =	sld [smem:$0x3FB0]  }
0x31: {  	[smem:$0x3FB9] =	sst s10  }
0x32: {  	s10 =	sld [smem:$0x3FB7];
	_ =	sdelay $0x3  }
0x33: {  	p0 =	seq.s32 s10, $0x1;
	s10 =	sld [smem:$0x3FB9];
	_ =	sdelay $0x3  }
0x34: {  	[smem:$0x3FB9] =	sst s10  }
0x35: {  	s10 =	sld [smem:$0x3FB8];
	_ =	sdelay $0x3  }
0x36: {  	p1 =	seq.s32 s10, $0x1;
	s10 =	sld [smem:$0x3FB9];
	_ =	sdelay $0x3  }
0x37: {  	[smem:$0x3FB9] =	sst s10  }
0x38: {  	s10 =	sld [smem:$0x3FBA]  }
0x39: {  	_ = 	snop;
	(pc) =	sbr.ind lr, $3  }
0x3a: {  	_ = 	snop  }
0x3b: {  	_ = 	snop  }
0x3c: {  	p2 =	seq.s32 s10, $0x1;
	s10 =	sld [smem:$0x3FB9]  }
0x3d: {  	_ =	shalt  }
0x3e: {  	_ =	shalt  }
0x3f: {  	_ =	shalt  }
0x40: {  	_ =	shalt  }
0x41: {  	_ =	shalt  }
0x42: {  	_ =	shalt  }
0x43: {  	_ =	shalt  }
0x44: {  	_ =	shalt  }
0x45: {  	_ =	shalt  }
0x46: {  	_ =	shalt  }
0x47: {  	_ =	shalt  }
0x48: {  	_ =	shalt  }
0x49: {  	_ =	shalt  }
0x4a: {  	_ =	shalt  }
0x4b: {  	_ =	shalt  }
0x4c: {  	_ =	shalt  }
0x4d: {  	_ =	shalt  }
0x4e: {  	_ =	shalt  }
0x4f: {  	_ =	shalt  }
0x50: {  	_ =	shalt  }
0x51: {  	_ =	shalt  }
0x52: {  	_ =	shalt  }
0x53: {  	_ =	shalt  }
0x54: {  	_ =	shalt  }
0x55: {  	_ =	shalt  }
0x56: {  	_ =	shalt  }
0x57: {  	_ =	shalt  }
0x58: {  	_ =	shalt  }
0x59: {  	_ =	shalt  }
0x5a: {  	_ =	shalt  }
0x5b: {  	_ =	shalt  }
0x5c: {  	_ =	shalt  }
0x5d: {  	_ =	shalt  }
0x5e: {  	_ =	shalt  }
0x5f: {  	_ =	shalt  }
0x60: {  	_ =	shalt  }
0x61: {  	_ =	shalt  }
0x62: {  	_ =	shalt  }
0x63: {  	_ =	shalt  }
0x64: {  	_ =	shalt  }
0x65: {  	_ =	shalt  }
0x66: {  	_ =	shalt  }
0x67: {  	_ =	shalt  }
0x68: {  	_ =	shalt  }
0x69: {  	_ =	shalt  }
0x6a: {  	_ =	shalt  }
0x6b: {  	_ =	shalt  }
0x6c: {  	_ =	shalt  }
0x6d: {  	_ =	shalt  }
0x6e: {  	_ =	shalt  }
0x6f: {  	_ =	shalt  }
0x70: {  	_ =	shalt  }
0x71: {  	_ =	shalt  }
0x72: {  	_ =	shalt  }
0x73: {  	_ =	shalt  }
0x74: {  	_ =	shalt  }
0x75: {  	_ =	shalt  }
0x76: {  	_ =	shalt  }
0x77: {  	_ =	shalt  }
0x78: {  	_ =	shalt  }
0x79: {  	_ =	shalt  }
0x7a: {  	_ =	shalt  }
0x7b: {  	_ =	shalt  }
0x7c: {  	_ =	shalt  }
0x7d: {  	_ =	shalt  }
0x7e: {  	_ =	shalt  }
0x7f: {  	_ =	shalt  }
0x80: {  	_ =	shalt  }
0x81: {  	_ =	shalt  }
0x82: {  	_ =	shalt  }
0x83: {  	_ =	shalt  }
0x84: {  	_ =	shalt  }
0x85: {  	_ =	shalt  }
0x86: {  	_ =	shalt  }
0x87: {  	_ =	shalt  }
.Lfunc_end0:
.L_simem_size_0:
called_computation_lowered:
.L_overlay_start_0:
0x88: {  	s0 =	sld [smem:$0x3FD9]  }
0x89: {  	s1 =	sld [smem:$0x3FFE];
	_ =	sdelay $0x3  }
0x8a: {  	s0 =	sadd.s32 s1, s0  }
0x8b: {  	[smem:$0x3FC5] =	sst s0  }
0x8c: {  	_ = 	snop  }
0x8d: {  	s0 =	sld [smem:$0x3FC7]  }
0x8e: {  	s17 =	sld [smem:$0x3FD0];
	(tm) =	ssettm $0x1  }
0x8f: {  	s2 =	sld [smem:$0x3FFB];
	_ =	sdelay $0x3  }
0x90: {  	_ =	strace s2  }
0x91: {  	s2 =	sld [smem:$0x3FFC];
	_ =	sdelay $0x3  }
0x92: {  	_ =	strace s2  }
0x93: {  	s2 =	sld [smem:$0x3FFD];
	_ =	sdelay $0x3  }
0x94: {  	_ =	strace s2  }
0x95: {  	_ =	strace $0x8FFFFFFF  }
0x96: {  	s18 =	sld [smem:$0x3FDB];
	_ =	sdelay $0x1  }
0x97: {  	s3 =	simm.s32 $_scs_section_size  }
0x98: {  	s4 =	simm.s32 $_size__tile_overlayer_lowered;
	s5 =	simm.s32 $_tile_overlayer_lowered  }
0x99: {  	s21 =	simm.s32 $0x1BFF;
	s20 =	sshll.u32 s5, $0x1;
	s2 =	sadd.s32 s3, s18  }
0x9a: {  	s6 =	simm.s32 $0x0;
	s19 =	sshll.u32 s4, $0x1;
	s4 =	sadd.s32 s20, s2  }
0x9b: {  	[timem:s6], [sflag:s21] =	dma.local [hbm:s4], s19  }
0x9c: {  	_ =	swait.ge [sflag:s21], s19  }
0x9d: {  	s3 =	ssub.s32 $0x0, s19;
	[sflag:s21] =	ssyncset.done $0x0  }
0x9e: {  	[sflag:s21] =	ssyncadd.s32 s3;
	_ =	sdelay $0x1  }
0x9f: {  	s22 =	simm.s32 $0x1B8B  }
0xa0: {  	_ =	swait.ge [sflag:s22], $0x1  }
0xa1: {  	[sflag:s22] =	ssyncset.done $0x0  }
0xa2: {  	s23 =	simm.s32 $0x1B8E;
	[sflag:s22] =	ssyncadd.s32 $0xFFFFFFFF  }
0xa3: {  	s24 =	simm.s32 $execute0_lowered;
	[smem:$0x3FD2] =	sst s23  }
0xa4: {  	s3 =	sshll.u32 s24, $0x1;
	_ =	strace $0x80000046;
	[dreg:$0x1] =	wrdreg $0xFFFFFFFF  }
0xa5: {  	s25 =	simm.s32 $_size_execute0_lowered;
	s2 =	sadd.s32 s2, s3;
	[dreg:$0x0] =	wrdreg $0x0  }
0xa6: {  	s3 =	sshll.u32 s25, $0x1;
	[dreg:$0x2] =	wrdreg s2  }
0xa7: {  	[dreg:$0x3] =	wrdreg s3  }
0xa8: {  	[dreg:$0x4] =	wrdreg $0xC0  }
0xa9: {  	_ =	task [dreg:s6], $0x5FFFF  }
0xaa: {  	[dreg:$0x1] =	wrdreg $0xFFFFFFFF  }
0xab: {  	[dreg:$0x0] =	wrdreg $0x60  }
0xac: {  	[dreg:$0x2] =	wrdreg s0  }
0xad: {  	[dreg:$0x3] =	wrdreg s17  }
0xae: {  	[dreg:$0x4] =	wrdreg $0x5800  }
0xaf: {  	[dreg:$0x5] =	wrdreg $0x9  }
0xb0: {  	_ =	task.clear_ibuf [dreg:s6], $0x6FFFF;
	_ =	strace $0x90000046  }
0xb1: {  	s26 =	simm.s32 $0x9;
	_ =	strace $0x80000048  }
0xb2: {  	_ =	swait.ge [sflag:s26], $0x1  }
0xb3: {  	[sflag:s26] =	ssyncadd.s32 $0xFFFFFFFF  }
0xb4: {  	_ =	strace $0x90000048  }
0xb5: {  	_ =	sfence  }
0xb6: {  	s28 =	sld [smem:$0x0];
	_ =	sdelay $0x1  }
0xb7: {  	s29 =	srdreg.scid  }
0xb8: {  	s30 =	sshll.u32 s29, $0xD;
	s31 =	sshrl.u32 s29, $0x2  }
0xb9: {  	s1 =	sand.u32 $0x1, s29;
	s2 =	sand.u32 $0x4000, s30;
	s0 =	sadd.s32 s31, s28  }
0xba: {  	s1 =	sor.u32 s2, s1;
	s0 =	sshll.u32 s0, $0x11  }
0xbb: {  	s0 =	sor.u32 s0, s1  }
0xbc: {  	s0 =	sadd.s32 $0x8F2B, s0  }
0xbd: {  	[sflag:s0] =	ssyncadd.remote.s32 $0x1  }
0xbe: {  	_ =	sfence.sel $0xFFFF  }
0xbf: {  	[dreg:$0x0] =	wrdreg $0xFFFFFFFF;
	(pc) =	sbr.abs _section_cstart, $3  }
0xc0: {  	[dreg:$0x1] =	wrdreg $0xFFFFFFFF  }
0xc1: {  	_ =	task.clear_ibuf [dreg:s6], $0x2FFFF;
	_ =	strace $0x9FFFFFFF  }
0xc2: {  	(tm) =	ssettm $0x7FFFFFFF  }
0xc3: {  	_ =	shalt  }
tec
execute0_lowered:
.L_overlay_start_1:
0x0: {  	(tag) =	ssettag $0x1  }
0x1: {  	s4 =	rddreg [dreg:$0x0]  }
0x2: {  	s1 =	rddreg [dreg:$0x1]  }
0x3: {  	s3 =	rddreg [dreg:$0x2]  }
0x4: {  	s0 =	rddreg [dreg:$0x3];
	s5 =	simm.s32 $0x0;
	s2 =	stileid.u32  }
0x5: {  	[smem:$0x7FF] =	sst s5;
	s6 =	sshll.u32 s2, $0x7  }
0x6: {  	s30 =	simm.s32 $0x1;
	_ =	strace $0x80000047;
	s4 =	sadd.s32 s4, s6  }
0x7: {  	[tilespmem:s5], [sflag:$0x1] =	stream.linear.gather [hbm4b:s4+s5], $0x400, $0x38;
	[tilespmem:$0x590] =	vst v63  }
0x8: {  	_ =	swait.ge [sflag:s30], $0x400  }
0x9: {  	[sflag:s30] =	ssyncset.done $0x0  }
0xa: {  	s31 =	simm.s32 $0x0;
	[sflag:s30] =	ssyncadd.s32 $0xFFFFFC00  }
0xb: {  	v3 =	vimm.s32 $0x0;
	v1 =	vimm.s32 $0x0;
	v0 =	vimm.s32 $0x0;
	s4 =	simm.s32 $0x40;
	v2 =	vld [tilespmem:s31+$0x0]  }
.LBB2_1:
0xc: {  	_ =	sdelay $0x1  }
0xd: {  	p0 =	sne.s32 s4, $0xFC0  }
.Ltmp0:
0xe: {  	_ = 	snop;
	(pc) =	sbr.rel @p0 .LBB2_1-.Ltmp0, $4  }
0xf: {  	v4 =	vand.u32 $0x1, v2;
	v5 =	vshra.s32 v2, $0x1  }
0x10: {  	v3 =	vadd.s32 v3, v4;
	v4 =	vmul.u32 v5, v4  }
0x11: {  	s5 =	sshra.s32 s4, $0x2  }
0x12: {  	s4 =	sadd.s32 $0x40, s4;
	v2 =	vld [tilespmem:s5+$0x0];
	v1 =	vadd.s32 v1, v5;
	v0 =	vadd.s32 v0, v4  }
0x13: {  	v4 =	vimm.s32 $0xEFCDAB89;
	v5 =	vimm.s32 $0x67452301;
	v7 =	vimm.s32 $0xDCFE98BA  }
0x14: {  	v8 =	vimm.s32 $0x54761032;
	v53 =	vimm.s32 $0xBA98FEDC;
	v54 =	vimm.s32 $0x32107654  }
0x15: {  	v58 =	vimm.s32 $0xFEDCBA98;
	v4 =	vunpack.c.l.s4.s8 v4;
	v5 =	vunpack.c.l.s4.s8 v5  }
0x16: {  	v59 =	vimm.s32 $0x76543210;
	v50 =	vunpack.c.l.s4.s8 v8;
	v8 =	vunpack.c.l.s4.s8 v54  }
0x17: {  	v49 =	vunpack.c.l.s4.s8 v7;
	v4 =	vunpack.c.0.s8.s32 v4;
	v5 =	vunpack.c.0.s8.s32 v5  }
0x18: {  	v7 =	vunpack.c.0.s8.s32 v50;
	v56 =	vunpack.c.0.s8.s32 v8;
	v6 =	vand.u32 $0x1, v2  }
0x19: {  	v52 =	vshra.s32 v2, $0x1;
	v4 =	vcombine.low v5, v4;
	v5 =	vunpack.c.0.s8.s32 v49  }
0x1a: {  	v3 =	vadd.s32 v3, v6;
	v6 =	vmul.u32 v52, v6;
	v1 =	vadd.s32 v1, v52  }
0x1b: {  	v4 =	vand.u32 $0xF, v4;
	v5 =	vcombine.low v7, v5;
	v7 =	vunpack.c.l.s4.s8 v53  }
0x1c: {  	v0 =	vadd.s32 v0, v6;
	v6 =	vunpack.c.l.s4.s8 v59;
	v51 =	vperm.xlane v3, v4  }
0x1d: {  	v57 =	vperm.xlane v1, v4;
	v4 =	vperm.xlane v0, v4;
	v5 =	vand.u32 $0xF, v5  }
0x1e: {  	v55 =	vunpack.c.0.s8.s32 v7;
	v7 =	vunpack.c.l.s4.s8 v58;
	v3 =	vadd.s32 v3, v51  }
0x1f: {  	v1 =	vadd.s32 v1, v57;
	v0 =	vadd.s32 v0, v4;
	v9 =	vperm.xlane v3, v5  }
0x20: {  	v2 =	vcombine.low v56, v55;
	v60 =	vperm.xlane v1, v5;
	v7 =	vunpack.c.0.s8.s32 v7  }
0x21: {  	v6 =	vunpack.c.0.s8.s32 v6;
	v5 =	vperm.xlane v0, v5;
	v3 =	vadd.s32 v9, v3  }
0x22: {  	v2 =	vand.u32 $0xF, v2;
	v1 =	vadd.s32 v60, v1;
	v7 =	vand.u32 $0xF, v7  }
0x23: {  	v0 =	vadd.s32 v5, v0;
	v61 =	vperm.xlane v3, v2;
	v62 =	vperm.xlane v1, v2  }
0x24: {  	v6 =	vcombine.low v7, v6;
	v2 =	vperm.xlane v0, v2  }
0x25: {  	v3 =	vadd.s32 v61, v3;
	v1 =	vadd.s32 v62, v1  }
0x26: {  	v0 =	vadd.s32 v2, v0;
	v4 =	vperm.xlane v3, v6;
	v5 =	vperm.xlane v1, v6  }
0x27: {  	v2 =	vperm.xlane v0, v6  }
0x28: {  	v3 =	vadd.s32 v4, v3;
	v1 =	vadd.s32 v5, v1  }
0x29: {  	v0 =	vadd.s32 v2, v0;
	v63 =	vadd.s32 v1, v3  }
0x2a: {  	v2 =	vsub.s32 v0, v63  }
0x2b: {  	v2 =	vadd.s32 $0x400, v2  }
0x2c: {  	v3 =	vsub.s32 v3, v0;
	v2 =	vcvt.s32.f32 v2  }
0x2d: {  	vm0 =	vmmov $0x1;
	v1 =	vsub.s32 v1, v0;
	v3 =	vcvt.s32.f32 v3  }
0x2e: {  	vm13 =	vcmask $0x310;
	v1 =	vcvt.s32.f32 v1;
	v2 =	vnsel vm0, $0x0, v2  }
0x2f: {  	vm14 =	vcmask $0x710;
	v0 =	vcvt.s32.f32 v0;
	v2 =	vsel vm13, v2, v3  }
0x30: {  	vm15 =	vcmask $0xB10;
	v1 =	vsel vm14, v2, v1  }
0x31: {  	s4 =	sshll.u32 s2, $0x4;
	v0 =	vsel vm15, v1, v0  }
0x32: {  	s5 =	simm.s32 $0x400;
	s30 =	simm.s32 $0x1;
	s4 =	sadd.s32 s4, s3;
	[tilespmem:$0x400] =	vst v0  }
0x33: {  	[spmem:s4] =	stream.linear.scatter [tilespmem:s5], [sflag:$0x1], $0x10, $0x38;
	[tilespmem:$0x590] =	vst v63  }
0x34: {  	_ =	swait.ge [sflag:s30], $0x10  }
0x35: {  	[sflag:s30] =	ssyncset.done $0x0  }
0x36: {  	[sflag:s30] =	ssyncadd.s32 $0xFFFFFFF0  }
0x37: {  	s31 =	simm.s32 $0x480;
	[bflag:$0x0] =	sbarrier.arrive $0xFFFF  }
0x38: {  	[tilespmem:s31], [sflag:$0x1] =	stream.linear.gather [spmem:s3], $0x100, $0x38;
	[tilespmem:$0x590] =	vst v63  }
0x39: {  	_ =	swait.ge [sflag:s30], $0x100  }
0x3a: {  	[sflag:s30] =	ssyncset.done $0x0  }
0x3b: {  	p0 =	sne.s32 s2, $0x0;
	[sflag:s30] =	ssyncadd.s32 $0xFFFFFF00  }
0x3c: {  	_ =	sfence.sel @p0 $0x180000  }
0x3d: {  	[bflag:$0x0] =	sbarrier.arrive @p0 $0xFFFF  }
0x3e: {  	_ =	strace @p0 $0x90000047  }
0x3f: {  	[bflag:$0x2] =	sbarrier.arrive @p0 $0xFFFF  }
0x40: {  	v0 =	vld @!p0 [tilespmem:$0x480];
	_ =	sdelay $0x1  }
0x41: {  	v1 =	vld @!p0 [tilespmem:$0x490];
	_ =	sdelay $0x1  }
0x42: {  	v2 =	vld @!p0 [tilespmem:$0x4A0]  }
0x43: {  	v0 =	vadd.f32 @!p0 $0.0e+00, v0  }
0x44: {  	v3 =	vld @!p0 [tilespmem:$0x4B0]  }
0x45: {  	v0 =	vadd.f32 @!p0 v1, v0  }
0x46: {  	v1 =	vld @!p0 [tilespmem:$0x4C0]  }
0x47: {  	v0 =	vadd.f32 @!p0 v2, v0  }
0x48: {  	v2 =	vld @!p0 [tilespmem:$0x4D0]  }
0x49: {  	v0 =	vadd.f32 @!p0 v3, v0  }
0x4a: {  	v3 =	vld @!p0 [tilespmem:$0x4E0]  }
0x4b: {  	v0 =	vadd.f32 @!p0 v1, v0  }
0x4c: {  	v1 =	vld @!p0 [tilespmem:$0x4F0]  }
0x4d: {  	v0 =	vadd.f32 @!p0 v2, v0  }
0x4e: {  	v2 =	vld @!p0 [tilespmem:$0x500]  }
0x4f: {  	v0 =	vadd.f32 @!p0 v3, v0  }
0x50: {  	v3 =	vld @!p0 [tilespmem:$0x510]  }
0x51: {  	v0 =	vadd.f32 @!p0 v1, v0  }
0x52: {  	v1 =	vld @!p0 [tilespmem:$0x520]  }
0x53: {  	v0 =	vadd.f32 @!p0 v2, v0  }
0x54: {  	v2 =	vld @!p0 [tilespmem:$0x530]  }
0x55: {  	v0 =	vadd.f32 @!p0 v3, v0  }
0x56: {  	v3 =	vld @!p0 [tilespmem:$0x540]  }
0x57: {  	v0 =	vadd.f32 @!p0 v1, v0  }
0x58: {  	v1 =	vld @!p0 [tilespmem:$0x550]  }
0x59: {  	v0 =	vadd.f32 @!p0 v2, v0  }
0x5a: {  	v2 =	vld @!p0 [tilespmem:$0x560]  }
0x5b: {  	v0 =	vadd.f32 @!p0 v3, v0  }
0x5c: {  	v3 =	vld @!p0 [tilespmem:$0x570]  }
0x5d: {  	v0 =	vadd.f32 @!p0 v1, v0;
	_ =	sdelay $0x1  }
0x5e: {  	v0 =	vadd.f32 @!p0 v2, v0;
	_ =	sdelay $0x1  }
0x5f: {  	v0 =	vadd.f32 @!p0 v3, v0;
	_ =	sdelay $0x1  }
0x60: {  	s2 =	simm.s32 @!p0 $0x0;
	s3 =	simm.s32 @!p0 $0x400;
	[tilespmem:$0x400] =	vst @!p0 v0  }
0x61: {  	[hbm4b:s1+s2] =	stream.linear.scatter @!p0 [tilespmem:s3], [sflag:$0x1], $0x80, $0x38;
	[tilespmem:$0x590] =	vst v63  }
0x62: {  	s1 =	simm.s32 @!p0 $0x1  }
0x63: {  	_ =	swait.ge @!p0 [sflag:s1], $0x80  }
0x64: {  	[sflag:s1] =	ssyncset.done @!p0 $0x0  }
0x65: {  	[sflag:s1] =	ssyncadd.s32 @!p0 $0xFFFFFF80  }
0x66: {  	_ =	sfence.sel @!p0 $0x180000  }
0x67: {  	[bflag:$0x0] =	sbarrier.arrive @!p0 $0xFFFF  }
0x68: {  	_ =	strace @!p0 $0x90000047  }
0x69: {  	s0 =	sadd.s32 @!p0 $0x100000, s0;
	[bflag:$0x2] =	sbarrier.arrive @!p0 $0xFFFF  }
0x6a: {  	[sflag:s0] =	ssyncadd.tile.s32 @!p0 $0x1;
	_ =	shalt  }
.Lfunc_end2:
_tile_overlayer_lowered:
.L_overlay_start_2:
0x6b: {  	(tag) =	ssettag $0x2  }
0x6c: {  	s0 =	rddreg [dreg:$0x0];
	s2 =	stileid.u32  }
0x6d: {  	s1 =	rddreg [dreg:$0x1];
	p0 =	sne.s32 s2, $0x0  }
0x6e: {  	s3 =	rddreg [dreg:$0x2];
	[bflag:$0x3] =	sbarrier.arrive $0xFFFF;
	s2 =	simm.s32 @!p0 $0x1C01  }
0x6f: {  	[timem:s3], [sflag:s2] =	dma.local @!p0 [hbm:s0], s1  }
0x70: {  	s0 =	simm.s32 @!p0 $0x1  }
0x71: {  	_ =	swait.ge @!p0 [sflag:s0], s1  }
0x72: {  	s1 =	ssub.s32 @!p0 $0x0, s1;
	[sflag:s0] =	ssyncset.done @!p0 $0x0  }
0x73: {  	[sflag:s0] =	ssyncadd.s32 @!p0 s1  }
0x74: {  	[bflag:$0x3] =	sbarrier.arrive $0xFFFF  }
0x75: {  	_ =	shalt  }

</sc_bundles>
